<compile_context>
chip_gen: v7x
topology: tpu7x:2x2x1
jax: 0.10.2.dev20260603
libtpu: 0.0.44.dev20260713+nightly
codegen_flags: <defaults>
</compile_context>

<pallas_src>
import functools

import jax
import jax.numpy as jnp
from jax import lax
from jax.experimental import pallas as pl
from jax.experimental.pallas import tpu as pltpu
from jax.experimental.pallas import tpu_sc as plsc

_B = 1024
_F = 64
_M = 65536
_GAMMA = 16.0
_K2 = _GAMMA * 1.4426950408889634
_M_TILE = 8192
_NT = _M // _M_TILE


def _gather_targets(indexes, labels):
    info = plsc.get_sparse_core_info()
    nc, ns = info.num_cores, info.num_subcores
    nw = nc * ns
    bpw = _B // nw

    @functools.partial(
        pl.kernel,
        mesh=plsc.VectorSubcoreMesh(core_axis_name="c", subcore_axis_name="s"),
        out_type=jax.ShapeDtypeStruct((_B,), jnp.int32),
        scratch_types=[
            pltpu.VMEM((bpw,), jnp.int32),
            pltpu.VMEM((bpw,), jnp.int32),
            pltpu.SemaphoreType.DMA,
        ],
    )
    def gather_k(idx_hbm, labels_hbm, out_hbm, idx_v, vals_v, sem):
        wid = lax.axis_index("s") * nc + lax.axis_index("c")
        base = wid * bpw
        pltpu.sync_copy(idx_hbm.at[pl.ds(base, bpw)], idx_v)
        pltpu.async_copy(labels_hbm.at[idx_v], vals_v, sem).wait()
        pltpu.sync_copy(vals_v, out_hbm.at[pl.ds(base, bpw)])

    return gather_k(indexes, labels)


def _loss_body(rt_ref, ft_ref, lab_ref, tgt_ref, out_ref,
               xn_ref, accp_ref, accn_ref):
    i = pl.program_id(0)

    @pl.when(i == 0)
    def _init():
        rr = rt_ref[...]
        ss = jnp.sum(rr * rr, axis=0, keepdims=True)
        inv = 1.0 / jnp.maximum(jnp.sqrt(ss), 1e-12)
        xn_ref[...] = (rr * inv).astype(jnp.bfloat16)
        accp_ref[...] = jnp.zeros_like(accp_ref)
        accn_ref[...] = jnp.zeros_like(accn_ref)

    x = xn_ref[...]
    f = ft_ref[...].astype(jnp.bfloat16)
    s = lax.dot_general(x, f, (((0,), (0,)), ((), ())),
                        preferred_element_type=jnp.float32)
    lbl = lab_ref[0]
    tgt = tgt_ref[...]
    mask = tgt == lbl
    sf = jnp.where(mask, -_K2, _K2)
    e = jnp.exp2(sf * s)
    ep = jnp.where(mask, e, 0.0)
    col_all = jnp.sum(e, axis=0, keepdims=True)
    col_p = jnp.sum(ep, axis=0, keepdims=True)
    sum_all = jnp.sum(col_all, axis=1, keepdims=True)
    sum_p = jnp.sum(col_p, axis=1, keepdims=True)
    accp_ref[...] += sum_p
    accn_ref[...] += sum_all - sum_p

    @pl.when(i == _NT - 1)
    def _fin():
        z = jnp.log(accp_ref[...]) + jnp.log(accn_ref[...])
        out_ref[...] = jnp.maximum(z, 0.0) + jnp.log(1.0 + jnp.exp(-jnp.abs(z)))


def _loss_call(results_t, features_t, labels3, targets2):
    return pl.pallas_call(
        _loss_body,
        grid=(_NT,),
        in_specs=[
            pl.BlockSpec((_F, _B), lambda i: (0, 0)),
            pl.BlockSpec((_F, _M_TILE), lambda i: (0, i)),
            pl.BlockSpec((1, 1, _M_TILE), lambda i: (i, 0, 0)),
            pl.BlockSpec((_B, 1), lambda i: (0, 0)),
        ],
        out_specs=pl.BlockSpec((1, 1), lambda i: (0, 0)),
        out_shape=jax.ShapeDtypeStruct((1, 1), jnp.float32),
        scratch_shapes=[
            pltpu.VMEM((_F, _B), jnp.bfloat16),
            pltpu.VMEM((1, 1), jnp.float32),
            pltpu.VMEM((1, 1), jnp.float32),
        ],
    )(results_t, features_t, labels3, targets2)


def kernel(results, indexes, features, labels):
    targets = _gather_targets(indexes, labels)
    labels3 = labels.reshape(_NT, 1, _M_TILE)
    targets2 = targets.reshape(_B, 1)
    out = _loss_call(results.T, features.T, labels3, targets2)
    return out[0, 0]

# --- scband reference (transcript-rebuilt; emitter-appended) ---
"""Pipeline reference for scband-unified-loss-memory-multi-focal-percent-64776696759052 (READ-ONLY COPY).

The authoritative reference and input builder live on the scoring server;
editing this copy changes nothing except your own understanding.
"""

import jax, jax.numpy as jnp
import numpy as np

B = 1024
NUM_FEATURES = 64
NUM_MEMORY = 65536
NUM_CLUSTERS = 2000
GAMMA = 16.0


def setup_inputs(seed: int = 0) -> dict:
    key = jax.random.key(seed)
    k1, k2, k3, k4 = jax.random.split(key, 4)
    results = jax.random.normal(k1, (B, NUM_FEATURES), dtype=jnp.float32)
    indexes = jax.random.randint(k2, (B,), 0, NUM_MEMORY, dtype=jnp.int32)
    # memory-bank buffer: L2-normalized feature rows (as maintained by HM updates)
    feats = jax.random.normal(k3, (NUM_MEMORY, NUM_FEATURES), dtype=jnp.float32)
    feats = feats / jnp.linalg.norm(feats, axis=1, keepdims=True)
    # pseudo-cluster label buffer
    labels = jax.random.randint(k4, (NUM_MEMORY,), 0, NUM_CLUSTERS, dtype=jnp.int32)
    return {"results": results, "indexes": indexes, "features": feats, "labels": labels}


def reference(results, indexes, features, labels):
    # F.normalize(inputs, p=2, dim=1)
    norm = jnp.linalg.norm(results, axis=1, keepdims=True)
    inputs = results / jnp.maximum(norm, 1e-12)
    # HM.forward: similarity against memory bank -> [B, num_memory]
    sims = inputs @ features.T
    # targets = labels[indexes]  (gather)
    targets = jnp.take(labels, indexes, axis=0)
    # positive/negative matrices via broadcast (== repeat in torch code)
    positive = targets[:, None] == labels[None, :]
    # UnifiedLoss: softplus(logsumexp(sn*gamma) + logsumexp(-sp*gamma)) over flattened selections
    logit_p = -sims * GAMMA
    logit_n = sims * GAMMA
    neg_inf = jnp.asarray(-jnp.inf, dtype=jnp.float32)
    lse_p = jax.scipy.special.logsumexp(jnp.where(positive, logit_p, neg_inf))
    lse_n = jax.scipy.special.logsumexp(jnp.where(~positive, logit_n, neg_inf))
    loss = jax.nn.softplus(lse_n + lse_p)
    return loss

if __name__ == "__main__":
    import jax
    _d = setup_inputs()
    print(jax.jit(kernel)(*tuple(_d.values())))

</pallas_src>

<mosaic_0001>
#map = affine_map<(d0, d1) -> (0)>
module attributes {stable_mosaic.version = 14 : i64} {
  func.func @gather_k(%arg0: i32, %arg1: i32, %arg2: memref<1024xi32, #tpu.memory_space<hbm>>, %arg3: memref<65536xi32, #tpu.memory_space<hbm>>, %arg4: memref<1024xi32, #tpu.memory_space<hbm>>, %arg5: memref<32xi32, #tpu.memory_space<vmem>>, %arg6: memref<32xi32, #tpu.memory_space<vmem>>, %arg7: memref<!tpu.dma_semaphore, #tpu.memory_space<semaphore_mem>>) attributes {dimension_semantics = [#tpu.dimension_semantics<core_parallel>, #tpu.dimension_semantics<subcore_parallel>], iteration_bounds = array<i64: 2, 16>, scalar_prefetch = 0 : i64, scratch_operands = 3 : i64, tpu.core_type = #tpu.core_type<sc_vector_subcore>, window_params = [{transform_indices = #map}, {transform_indices = #map}, {transform_indices = #map}]} {
    %mul3A = arith.constant 2 : i32
    %mul3A_0 = arith.muli %arg1, %mul3A : i32
    %add3A = arith.addi %mul3A_0, %arg0 : i32
    %mul3A_1 = arith.constant 32 : i32
    %mul3A_2 = arith.muli %add3A, %mul3A_1 : i32
    "tpu.region"() ({
      %run_scoped3A = tpu.sem_alloc : memref<!tpu.dma_semaphore, #tpu.memory_space<semaphore_mem>>
      %dma_start3A_5 = tpu.memref_slice %arg2[%mul3A_2] : memref<1024xi32, #tpu.memory_space<hbm>> -> memref<32xi32, #tpu.memory_space<hbm>>
      %dma_start3A_6 = tpu.memref_slice %arg2[%mul3A_2] : memref<1024xi32, #tpu.memory_space<hbm>> -> memref<32xi32, #tpu.memory_space<hbm>>
      tpu.enqueue_dma source(%dma_start3A_6 : memref<32xi32, #tpu.memory_space<hbm>>) target(%arg5 : memref<32xi32, #tpu.memory_space<vmem>>) target_semaphore(%run_scoped3A : memref<!tpu.dma_semaphore, #tpu.memory_space<semaphore_mem>>)
      %dma_wait3A_7 = tpu.memref_slice %arg2[%mul3A_2] : memref<1024xi32, #tpu.memory_space<hbm>> -> memref<32xi32, #tpu.memory_space<hbm>>
      %dma_wait3A_8 = tpu.memref_slice %arg2[%mul3A_2] : memref<1024xi32, #tpu.memory_space<hbm>> -> memref<32xi32, #tpu.memory_space<hbm>>
      tpu.wait_dma2 semaphore(%run_scoped3A : memref<!tpu.dma_semaphore, #tpu.memory_space<semaphore_mem>>) src(%dma_wait3A_8 : memref<32xi32, #tpu.memory_space<hbm>>) dst(%arg5 : memref<32xi32, #tpu.memory_space<vmem>>)
      tpu.yield
    }) : () -> ()
    %dma_start3A = arith.constant 0 : i32
    %dma_start3A_3 = tpu.memref_slice %arg3[%dma_start3A] : memref<65536xi32, #tpu.memory_space<hbm>> -> memref<65536xi32, #tpu.memory_space<hbm>>
    tpu.enqueue_indirect_dma source(%dma_start3A_3 : memref<65536xi32, #tpu.memory_space<hbm>>) target(%arg6 : memref<32xi32, #tpu.memory_space<vmem>>) offsets(%arg5 : memref<32xi32, #tpu.memory_space<vmem>>) semaphore(%arg7 : memref<!tpu.dma_semaphore, #tpu.memory_space<semaphore_mem>>)
    %dma_wait3A = arith.constant 0 : i32
    %dma_wait3A_4 = tpu.memref_slice %arg3[%dma_wait3A] : memref<65536xi32, #tpu.memory_space<hbm>> -> memref<65536xi32, #tpu.memory_space<hbm>>
    tpu.wait_indirect_dma semaphore(%arg7 : memref<!tpu.dma_semaphore, #tpu.memory_space<semaphore_mem>>) src(%dma_wait3A_4 : memref<65536xi32, #tpu.memory_space<hbm>>) dst(%arg6 : memref<32xi32, #tpu.memory_space<vmem>>)
    "tpu.region"() ({
      %run_scoped3A = tpu.sem_alloc : memref<!tpu.dma_semaphore, #tpu.memory_space<semaphore_mem>>
      %dma_start3A_5 = tpu.memref_slice %arg4[%mul3A_2] : memref<1024xi32, #tpu.memory_space<hbm>> -> memref<32xi32, #tpu.memory_space<hbm>>
      %dma_start3A_6 = tpu.memref_slice %arg4[%mul3A_2] : memref<1024xi32, #tpu.memory_space<hbm>> -> memref<32xi32, #tpu.memory_space<hbm>>
      tpu.enqueue_dma source(%arg6 : memref<32xi32, #tpu.memory_space<vmem>>) target(%dma_start3A_6 : memref<32xi32, #tpu.memory_space<hbm>>) target_semaphore(%run_scoped3A : memref<!tpu.dma_semaphore, #tpu.memory_space<semaphore_mem>>)
      %dma_wait3A_7 = tpu.memref_slice %arg4[%mul3A_2] : memref<1024xi32, #tpu.memory_space<hbm>> -> memref<32xi32, #tpu.memory_space<hbm>>
      %dma_wait3A_8 = tpu.memref_slice %arg4[%mul3A_2] : memref<1024xi32, #tpu.memory_space<hbm>> -> memref<32xi32, #tpu.memory_space<hbm>>
      tpu.wait_dma2 semaphore(%run_scoped3A : memref<!tpu.dma_semaphore, #tpu.memory_space<semaphore_mem>>) src(%arg6 : memref<32xi32, #tpu.memory_space<vmem>>) dst(%dma_wait3A_8 : memref<32xi32, #tpu.memory_space<hbm>>)
      tpu.yield
    }) : () -> ()
    return
  }
}

module attributes {stable_mosaic.version = 14 : i64} {
  func.func @_loss_body(%arg0: i32, %arg1: memref<64x1024xf32, #tpu.memory_space<vmem>>, %arg2: memref<64x8192xf32, #tpu.memory_space<vmem>>, %arg3: memref<1x1x8192xi32, #tpu.memory_space<vmem>>, %arg4: memref<1024x1xi32, #tpu.memory_space<vmem>>, %arg5: memref<1x1xf32, #tpu.memory_space<vmem>>, %arg6: memref<64x1024xbf16, #tpu.memory_space<vmem>>, %arg7: memref<1x1xf32, #tpu.memory_space<vmem>>, %arg8: memref<1x1xf32, #tpu.memory_space<vmem>>) attributes {dimension_semantics = [#tpu.dimension_semantics<arbitrary>], iteration_bounds = array<i64: 8>, scalar_prefetch = 0 : i64, scratch_operands = 3 : i64, tpu.core_type = #tpu.core_type<tc>, window_params = [{pipeline_mode = #tpu.pipeline_mode<synchronous>, transform_indices = @transform_0, window_bounds = array<i64: 64, 1024>}, {transform_indices = @transform_1, window_bounds = array<i64: 64, 8192>}, {transform_indices = @transform_2, window_bounds = array<i64: 1, 1, 8192>}, {pipeline_mode = #tpu.pipeline_mode<synchronous>, transform_indices = @transform_3, window_bounds = array<i64: 1024, 1>}, {pipeline_mode = #tpu.pipeline_mode<synchronous>, transform_indices = @transform_4, window_bounds = array<i64: 1, 1>}]} {
    %eq3A = arith.constant 0 : i32
    %eq3A_0 = arith.cmpi eq, %arg0, %eq3A : i32
    %convert_element_type3A = arith.extui %eq3A_0 : i1 to i32
    %cond3A = arith.constant 0 : i32
    %cond3A_1 = arith.cmpi ne, %convert_element_type3A, %cond3A : i32
    scf.if %cond3A_1 {
      %get3A_53 = arith.constant 0 : index
      %get3A_54 = arith.constant 0 : index
      %get3A_55 = vector.load %arg1[%get3A_53, %get3A_54] : memref<64x1024xf32, #tpu.memory_space<vmem>>, vector<64x1024xf32>
      %mul3A_56 = arith.mulf %get3A_55, %get3A_55 : vector<64x1024xf32>
      %reduce_sum3A_57 = arith.constant dense<0.000000e+00> : vector<1024xf32>
      %reduce_sum3A_58 = vector.multi_reduction <add>, %mul3A_56, %reduce_sum3A_57 [0] : vector<64x1024xf32> to vector<1024xf32>
      %broadcast_in_dim3A_59 = vector.shape_cast %reduce_sum3A_58 : vector<1024xf32> to vector<1x1024xf32>
      %sqrt3A = math.sqrt %broadcast_in_dim3A_59 : vector<1x1024xf32>
      %max3A = arith.constant 9.99999996E-13 : f32
      %max3A_60 = vector.broadcast %max3A : f32 to vector<1x1024xf32>
      %max3A_61 = arith.maximumf %sqrt3A, %max3A_60 : vector<1x1024xf32>
      %div3A = arith.constant 1.000000e+00 : f32
      %div3A_62 = vector.broadcast %div3A : f32 to vector<1x1024xf32>
      %div3A_63 = arith.divf %div3A_62, %max3A_61 : vector<1x1024xf32>
      %mul3A_64 = vector.broadcast %div3A_63 : vector<1x1024xf32> to vector<64x1024xf32>
      %mul3A_65 = arith.mulf %get3A_55, %mul3A_64 : vector<64x1024xf32>
      %convert_element_type3A_66 = arith.truncf %mul3A_65 : vector<64x1024xf32> to vector<64x1024xbf16>
      %swap3A_67 = arith.constant 0 : index
      %swap3A_68 = arith.constant 0 : index
      %swap3A_69 = vector.load %arg6[%swap3A_67, %swap3A_68] : memref<64x1024xbf16, #tpu.memory_space<vmem>>, vector<64x1024xbf16>
      tpu.vector_store %arg6[%swap3A_67, %swap3A_68], %convert_element_type3A_66 {strides = array<i32>} : memref<64x1024xbf16, #tpu.memory_space<vmem>>, vector<64x1024xbf16>,
      %broadcast_in_dim3A_70 = arith.constant 0.000000e+00 : f32
      %broadcast_in_dim3A_71 = vector.broadcast %broadcast_in_dim3A_70 : f32 to vector<1x1xf32>
      %swap3A_72 = arith.constant 0 : index
      %swap3A_73 = arith.constant 0 : index
      %swap3A_74 = vector.load %arg7[%swap3A_72, %swap3A_73] : memref<1x1xf32, #tpu.memory_space<vmem>>, vector<1x1xf32>
      tpu.vector_store %arg7[%swap3A_72, %swap3A_73], %broadcast_in_dim3A_71 {strides = array<i32>} : memref<1x1xf32, #tpu.memory_space<vmem>>, vector<1x1xf32>,
      %broadcast_in_dim3A_75 = arith.constant 0.000000e+00 : f32
      %broadcast_in_dim3A_76 = vector.broadcast %broadcast_in_dim3A_75 : f32 to vector<1x1xf32>
      %swap3A_77 = arith.constant 0 : index
      %swap3A_78 = arith.constant 0 : index
      %swap3A_79 = vector.load %arg8[%swap3A_77, %swap3A_78] : memref<1x1xf32, #tpu.memory_space<vmem>>, vector<1x1xf32>
      tpu.vector_store %arg8[%swap3A_77, %swap3A_78], %broadcast_in_dim3A_76 {strides = array<i32>} : memref<1x1xf32, #tpu.memory_space<vmem>>, vector<1x1xf32>,
    } else {
    }
    %get3A = arith.constant 0 : index
    %get3A_2 = arith.constant 0 : index
    %get3A_3 = vector.load %arg6[%get3A, %get3A_2] : memref<64x1024xbf16, #tpu.memory_space<vmem>>, vector<64x1024xbf16>
    %get3A_4 = arith.constant 0 : index
    %get3A_5 = arith.constant 0 : index
    %get3A_6 = vector.load %arg2[%get3A_4, %get3A_5] : memref<64x8192xf32, #tpu.memory_space<vmem>>, vector<64x8192xf32>
    %convert_element_type3A_7 = arith.truncf %get3A_6 : vector<64x8192xf32> to vector<64x8192xbf16>
    %dot_general3A = arith.constant dense<0.000000e+00> : vector<1024x8192xf32>
    %dot_general3A_8 = tpu.matmul %get3A_3, %convert_element_type3A_7, %dot_general3A {dimension_numbers = #tpu.dot_dimension_numbers<[0], [0], [1], [1], [0, 1, 1, 1], [], []>, transpose_lhs_hint = false} : vector<64x1024xbf16>, vector<64x8192xbf16>, vector<1024x8192xf32> -> vector<1024x8192xf32>
    %get3A_9 = arith.constant 0 : index
    %get3A_10 = arith.constant 0 : index
    %get3A_11 = arith.constant 0 : index
    %get3A_12 = vector.load %arg3[%get3A_9, %get3A_10, %get3A_11] : memref<1x1x8192xi32, #tpu.memory_space<vmem>>, vector<1x1x8192xi32>
    %get3A_13 = vector.shape_cast %get3A_12 : vector<1x1x8192xi32> to vector<1x8192xi32>
    %get3A_14 = arith.constant 0 : index
    %get3A_15 = arith.constant 0 : index
    %get3A_16 = vector.load %arg4[%get3A_14, %get3A_15] : memref<1024x1xi32, #tpu.memory_space<vmem>>, vector<1024x1xi32>
    %eq3A_17 = vector.broadcast %get3A_16 : vector<1024x1xi32> to vector<1024x8192xi32>
    %eq3A_18 = vector.broadcast %get3A_13 : vector<1x8192xi32> to vector<1024x8192xi32>
    %eq3A_19 = arith.cmpi eq, %eq3A_17, %eq3A_18 : vector<1024x8192xi32>
    %jit3A = arith.constant -23.0831203 : f32
    %jit3A_20 = arith.constant 23.0831203 : f32
    %broadcast_in_dim3A = vector.broadcast %jit3A : f32 to vector<1024x8192xf32>
    %broadcast_in_dim3A_21 = vector.broadcast %jit3A_20 : f32 to vector<1024x8192xf32>
    %select_n3A = arith.select %eq3A_19, %broadcast_in_dim3A, %broadcast_in_dim3A_21 : vector<1024x8192xi1>, vector<1024x8192xf32>
    %mul3A = arith.mulf %select_n3A, %dot_general3A_8 : vector<1024x8192xf32>
    %exp23A = math.exp2 %mul3A : vector<1024x8192xf32>
    %jit3A_22 = arith.constant 0.000000e+00 : f32
    %broadcast_in_dim3A_23 = vector.broadcast %jit3A_22 : f32 to vector<1024x8192xf32>
    %select_n3A_24 = arith.select %eq3A_19, %exp23A, %broadcast_in_dim3A_23 : vector<1024x8192xi1>, vector<1024x8192xf32>
    %reduce_sum3A = arith.constant dense<0.000000e+00> : vector<8192xf32>
    %reduce_sum3A_25 = vector.multi_reduction <add>, %exp23A, %reduce_sum3A [0] : vector<1024x8192xf32> to vector<8192xf32>
    %broadcast_in_dim3A_26 = vector.shape_cast %reduce_sum3A_25 : vector<8192xf32> to vector<1x8192xf32>
    %reduce_sum3A_27 = arith.constant dense<0.000000e+00> : vector<8192xf32>
    %reduce_sum3A_28 = vector.multi_reduction <add>, %select_n3A_24, %reduce_sum3A_27 [0] : vector<1024x8192xf32> to vector<8192xf32>
    %broadcast_in_dim3A_29 = vector.shape_cast %reduce_sum3A_28 : vector<8192xf32> to vector<1x8192xf32>
    %reduce_sum3A_30 = arith.constant dense<0.000000e+00> : vector<1xf32>
    %reduce_sum3A_31 = vector.multi_reduction <add>, %broadcast_in_dim3A_26, %reduce_sum3A_30 [1] : vector<1x8192xf32> to vector<1xf32>
    %broadcast_in_dim3A_32 = vector.shape_cast %reduce_sum3A_31 : vector<1xf32> to vector<1x1xf32>
    %reduce_sum3A_33 = arith.constant dense<0.000000e+00> : vector<1xf32>
    %reduce_sum3A_34 = vector.multi_reduction <add>, %broadcast_in_dim3A_29, %reduce_sum3A_33 [1] : vector<1x8192xf32> to vector<1xf32>
    %broadcast_in_dim3A_35 = vector.shape_cast %reduce_sum3A_34 : vector<1xf32> to vector<1x1xf32>
    %get3A_36 = arith.constant 0 : index
    %get3A_37 = arith.constant 0 : index
    %get3A_38 = vector.load %arg7[%get3A_36, %get3A_37] : memref<1x1xf32, #tpu.memory_space<vmem>>, vector<1x1xf32>
    %add3A = arith.addf %get3A_38, %broadcast_in_dim3A_35 : vector<1x1xf32>
    %swap3A = arith.constant 0 : index
    %swap3A_39 = arith.constant 0 : index
    %swap3A_40 = vector.load %arg7[%swap3A, %swap3A_39] : memref<1x1xf32, #tpu.memory_space<vmem>>, vector<1x1xf32>
    tpu.vector_store %arg7[%swap3A, %swap3A_39], %add3A {strides = array<i32>} : memref<1x1xf32, #tpu.memory_space<vmem>>, vector<1x1xf32>,
    %get3A_41 = arith.constant 0 : index
    %get3A_42 = arith.constant 0 : index
    %get3A_43 = vector.load %arg8[%get3A_41, %get3A_42] : memref<1x1xf32, #tpu.memory_space<vmem>>, vector<1x1xf32>
    %sub3A = arith.subf %broadcast_in_dim3A_32, %broadcast_in_dim3A_35 : vector<1x1xf32>
    %add3A_44 = arith.addf %get3A_43, %sub3A : vector<1x1xf32>
    %swap3A_45 = arith.constant 0 : index
    %swap3A_46 = arith.constant 0 : index
    %swap3A_47 = vector.load %arg8[%swap3A_45, %swap3A_46] : memref<1x1xf32, #tpu.memory_space<vmem>>, vector<1x1xf32>
    tpu.vector_store %arg8[%swap3A_45, %swap3A_46], %add3A_44 {strides = array<i32>} : memref<1x1xf32, #tpu.memory_space<vmem>>, vector<1x1xf32>,
    %eq3A_48 = arith.constant 7 : i32
    %eq3A_49 = arith.cmpi eq, %arg0, %eq3A_48 : i32
    %convert_element_type3A_50 = arith.extui %eq3A_49 : i1 to i32
    %cond3A_51 = arith.constant 0 : i32
    %cond3A_52 = arith.cmpi ne, %convert_element_type3A_50, %cond3A_51 : i32
    scf.if %cond3A_52 {
      %get3A_53 = arith.constant 0 : index
      %get3A_54 = arith.constant 0 : index
      %get3A_55 = vector.load %arg7[%get3A_53, %get3A_54] : memref<1x1xf32, #tpu.memory_space<vmem>>, vector<1x1xf32>
      %log3A = math.log %get3A_55 : vector<1x1xf32>
      %get3A_56 = arith.constant 0 : index
      %get3A_57 = arith.constant 0 : index
      %get3A_58 = vector.load %arg8[%get3A_56, %get3A_57] : memref<1x1xf32, #tpu.memory_space<vmem>>, vector<1x1xf32>
      %log3A_59 = math.log %get3A_58 : vector<1x1xf32>
      %add3A_60 = arith.addf %log3A, %log3A_59 : vector<1x1xf32>
      %max3A = arith.constant 0.000000e+00 : f32
      %max3A_61 = vector.broadcast %max3A : f32 to vector<1x1xf32>
      %max3A_62 = arith.maximumf %add3A_60, %max3A_61 : vector<1x1xf32>
      %abs3A = math.absf %add3A_60 : vector<1x1xf32>
      %neg3A = arith.constant 0.000000e+00 : f32
      %neg3A_63 = vector.broadcast %neg3A : f32 to vector<1x1xf32>
      %neg3A_64 = arith.subf %neg3A_63, %abs3A : vector<1x1xf32>
      %exp3A = math.exp %neg3A_64 : vector<1x1xf32>
      %add3A_65 = arith.constant 1.000000e+00 : f32
      %add3A_66 = vector.broadcast %add3A_65 : f32 to vector<1x1xf32>
      %add3A_67 = arith.addf %add3A_66, %exp3A : vector<1x1xf32>
      %log3A_68 = math.log %add3A_67 : vector<1x1xf32>
      %add3A_69 = arith.addf %max3A_62, %log3A_68 : vector<1x1xf32>
      %swap3A_70 = arith.constant 0 : index
      %swap3A_71 = arith.constant 0 : index
      %swap3A_72 = vector.load %arg5[%swap3A_70, %swap3A_71] : memref<1x1xf32, #tpu.memory_space<vmem>>, vector<1x1xf32>
      tpu.vector_store %arg5[%swap3A_70, %swap3A_71], %add3A_69 {strides = array<i32>} : memref<1x1xf32, #tpu.memory_space<vmem>>, vector<1x1xf32>,
    } else {
    }
    return
  }
  func.func @transform_0(%arg0: i32) -> (i32, i32) {
    %c0_i32 = arith.constant 0 : i32
    %c0_i32_0 = arith.constant 0 : i32
    %c0_i32_1 = arith.constant 0 : i32
    return %c0_i32, %c0_i32_0 : i32, i32
  }
  func.func @transform_1(%arg0: i32) -> (i32, i32) {
    %c0_i32 = arith.constant 0 : i32
    %c0_i32_0 = arith.constant 0 : i32
    return %c0_i32, %arg0 : i32, i32
  }
  func.func @transform_2(%arg0: i32) -> (i32, i32, i32) {
    %c0_i32 = arith.constant 0 : i32
    %c0_i32_0 = arith.constant 0 : i32
    %c0_i32_1 = arith.constant 0 : i32
    return %arg0, %c0_i32, %c0_i32_0 : i32, i32, i32
  }
  func.func @transform_3(%arg0: i32) -> (i32, i32) {
    %c0_i32 = arith.constant 0 : i32
    %c0_i32_0 = arith.constant 0 : i32
    %c0_i32_1 = arith.constant 0 : i32
    return %c0_i32, %c0_i32_0 : i32, i32
  }
  func.func @transform_4(%arg0: i32) -> (i32, i32) {
    %c0_i32 = arith.constant 0 : i32
    %c0_i32_0 = arith.constant 0 : i32
    %c0_i32_1 = arith.constant 0 : i32
    return %c0_i32, %c0_i32_0 : i32, i32
  }
}

</mosaic_0001>

<sc_bundles>
// kernel: kernel.4.cloned.1.call-start
scs
__scs_entry_jumppad:
0x0: {  	(pc) =	sbr.rel $0x88, $3  }
0x1: {  	(tag) =	ssettag $0x0;
	lr =	simm.s32 $0x1  }
0x2: {  	[smem:$0x3F9D] =	sst lr;
	_ =	strace $0xD0000000  }
0x3: {  	_ = 	snop  }
0x4: {  	_ = 	snop  }
0x5: {  	_ = 	snop  }
0x6: {  	_ = 	snop  }
0x7: {  	_ = 	snop  }
__scs_overlays_trampoline_lowered:
0x8: {  	[smem:$0x3FAC] =	sst s0  }
0x9: {  	[smem:$0x3FAD] =	sst s1  }
0xa: {  	[smem:$0x3FAE] =	sst s2  }
0xb: {  	[smem:$0x3FAF] =	sst s3  }
0xc: {  	[smem:$0x3FB0] =	sst s4  }
0xd: {  	[smem:$0x3FB1] =	sst s5  }
0xe: {  	[smem:$0x3FB2] =	sst s6  }
0xf: {  	[smem:$0x3FB3] =	sst s7  }
0x10: {  	[smem:$0x3FB4] =	sst s8  }
0x11: {  	[smem:$0x3FB5] =	sst s9;
	s0 =	simm.s32 @!p0 $0x0  }
0x12: {  	s1 =	sld [smem:$0x3F9B];
	s0 =	simm.s32 @p0 $0x1  }
0x13: {  	[smem:$0x3FB6] =	sst s0;
	s0 =	simm.s32 @!p1 $0x0  }
0x14: {  	s2 =	sld [smem:$0x3F9A];
	s0 =	simm.s32 @p1 $0x1  }
0x15: {  	[smem:$0x3FB7] =	sst s0;
	s0 =	simm.s32 @!p2 $0x0  }
0x16: {  	s3 =	sld [smem:$0x3FDB];
	s0 =	simm.s32 @p2 $0x1  }
0x17: {  	s4 =	simm.s32 $0x1BF5;
	[smem:$0x3FB9] =	sst s0  }
0x18: {  	s0 =	sld [smem:$0x3F9C];
	_ =	swait.ge [sflag:s4], $0x0  }
0x19: {  	s7 =	sld [smem:$0x3F9D]  }
0x1a: {  	s8 =	sadd.s32 $0xFFFFE003, lr  }
0x1b: {  	s9 =	sadd.s32 $0xFFFFFEF7, lr;
	s5 =	simm.s32 $0xFFFFFFFF;
	p2 =	slt.u32 s8, $0xFFFFF086  }
0x1c: {  	p1 =	slt.u32 s9, $0xF7A;
	s5 =	simm.s32 @!p2 $0x0  }
0x1d: {  	s5 =	simm.s32 @p1 $0x1;
	p0 =	seq.s32 s7, s2  }
0x1e: {  	s7 =	smul.u32 @!p0 $0xF7A, s2;
	p2 =	seq.s32 @!p0 s5, $0x0  }
0x1f: {  	s9 =	smul.u32 $0xF7A, s1;
	s8 =	simm.s32 @!p0 $0x1BF5;
	p2 =	por !p2, p0  }
0x20: {  	[sflag:s8] =	ssyncset.s32 @!p0 $0xFFFFF086;
	s6 =	sadd.s32 @!p0 s3, s7;
	s7 =	simm.s32 @!p0 $0x108  }
0x21: {  	s3 =	sadd.s32 s3, s9;
	s6 =	sadd.s32 @!p0 $0x88, s6;
	s7 =	simm.s32 @p2 $0x1082  }
0x22: {  	[simem:s7], [sflag:s8] =	dma.local @!p0 [hbm:s6], $0xF7A  }
0x23: {  	s9 =	sor.u32 $0xD0000000, s2;
	s6 =	simm.s32 $0x108;
	_ =	swait.ge @!p0 [sflag:s8], $0x0  }
0x24: {  	s3 =	sadd.s32 $0x88, s3;
	s6 =	simm.s32 @!p1 $0x1082;
	[sflag:s4] =	ssyncset.s32 $0xFFFFF086  }
0x25: {  	[simem:s6], [sflag:s4] =	dma.local [hbm:s3], $0xF7A  }
0x26: {  	[smem:$0x3F9D] =	sst s1;
	(tag) =	ssettag s2;
	_ =	strace s9  }
0x27: {  	s1 =	sld [smem:$0x3FAD]  }
0x28: {  	s2 =	sld [smem:$0x3FAE]  }
0x29: {  	s4 =	sld [smem:$0x3FB0]  }
0x2a: {  	p0 =	seq.s32 s5, $0x0;
	s5 =	sld [smem:$0x3FB1]  }
0x2b: {  	s6 =	sld [smem:$0x3FB2]  }
0x2c: {  	s7 =	sld [smem:$0x3FB3]  }
0x2d: {  	s3 =	simm.s32 $0x108;
	s8 =	sld [smem:$0x3FB4]  }
0x2e: {  	s3 =	simm.s32 @!p0 $0x1082;
	s9 =	sld [smem:$0x3FB5]  }
0x2f: {  	lr =	sadd.s32 s0, s3;
	s0 =	sld [smem:$0x3FAC]  }
0x30: {  	s3 =	sld [smem:$0x3FAF]  }
0x31: {  	[smem:$0x3FB8] =	sst s10  }
0x32: {  	s10 =	sld [smem:$0x3FB6];
	_ =	sdelay $0x3  }
0x33: {  	p0 =	seq.s32 s10, $0x1;
	s10 =	sld [smem:$0x3FB8];
	_ =	sdelay $0x3  }
0x34: {  	[smem:$0x3FB8] =	sst s10  }
0x35: {  	s10 =	sld [smem:$0x3FB7];
	_ =	sdelay $0x3  }
0x36: {  	p1 =	seq.s32 s10, $0x1;
	s10 =	sld [smem:$0x3FB8];
	_ =	sdelay $0x3  }
0x37: {  	[smem:$0x3FB8] =	sst s10  }
0x38: {  	s10 =	sld [smem:$0x3FB9]  }
0x39: {  	_ = 	snop;
	(pc) =	sbr.ind lr, $3  }
0x3a: {  	_ = 	snop  }
0x3b: {  	_ = 	snop  }
0x3c: {  	p2 =	seq.s32 s10, $0x1;
	s10 =	sld [smem:$0x3FB8]  }
0x3d: {  	_ =	shalt  }
0x3e: {  	_ =	shalt  }
0x3f: {  	_ =	shalt  }
0x40: {  	_ =	shalt  }
0x41: {  	_ =	shalt  }
0x42: {  	_ =	shalt  }
0x43: {  	_ =	shalt  }
0x44: {  	_ =	shalt  }
0x45: {  	_ =	shalt  }
0x46: {  	_ =	shalt  }
0x47: {  	_ =	shalt  }
0x48: {  	_ =	shalt  }
0x49: {  	_ =	shalt  }
0x4a: {  	_ =	shalt  }
0x4b: {  	_ =	shalt  }
0x4c: {  	_ =	shalt  }
0x4d: {  	_ =	shalt  }
0x4e: {  	_ =	shalt  }
0x4f: {  	_ =	shalt  }
0x50: {  	_ =	shalt  }
0x51: {  	_ =	shalt  }
0x52: {  	_ =	shalt  }
0x53: {  	_ =	shalt  }
0x54: {  	_ =	shalt  }
0x55: {  	_ =	shalt  }
0x56: {  	_ =	shalt  }
0x57: {  	_ =	shalt  }
0x58: {  	_ =	shalt  }
0x59: {  	_ =	shalt  }
0x5a: {  	_ =	shalt  }
0x5b: {  	_ =	shalt  }
0x5c: {  	_ =	shalt  }
0x5d: {  	_ =	shalt  }
0x5e: {  	_ =	shalt  }
0x5f: {  	_ =	shalt  }
0x60: {  	_ =	shalt  }
0x61: {  	_ =	shalt  }
0x62: {  	_ =	shalt  }
0x63: {  	_ =	shalt  }
0x64: {  	_ =	shalt  }
0x65: {  	_ =	shalt  }
0x66: {  	_ =	shalt  }
0x67: {  	_ =	shalt  }
0x68: {  	_ =	shalt  }
0x69: {  	_ =	shalt  }
0x6a: {  	_ =	shalt  }
0x6b: {  	_ =	shalt  }
0x6c: {  	_ =	shalt  }
0x6d: {  	_ =	shalt  }
0x6e: {  	_ =	shalt  }
0x6f: {  	_ =	shalt  }
0x70: {  	_ =	shalt  }
0x71: {  	_ =	shalt  }
0x72: {  	_ =	shalt  }
0x73: {  	_ =	shalt  }
0x74: {  	_ =	shalt  }
0x75: {  	_ =	shalt  }
0x76: {  	_ =	shalt  }
0x77: {  	_ =	shalt  }
0x78: {  	_ =	shalt  }
0x79: {  	_ =	shalt  }
0x7a: {  	_ =	shalt  }
0x7b: {  	_ =	shalt  }
0x7c: {  	_ =	shalt  }
0x7d: {  	_ =	shalt  }
0x7e: {  	_ =	shalt  }
0x7f: {  	_ =	shalt  }
0x80: {  	_ =	shalt  }
0x81: {  	_ =	shalt  }
0x82: {  	_ =	shalt  }
0x83: {  	_ =	shalt  }
0x84: {  	_ =	shalt  }
0x85: {  	_ =	shalt  }
0x86: {  	_ =	shalt  }
0x87: {  	_ =	shalt  }
.Lfunc_end0:
.L_simem_size_0:
called_computation_lowered:
.L_overlay_start_0:
0x88: {  	s2 =	sld [smem:$0x3FD9]  }
0x89: {  	s3 =	sld [smem:$0x3FFE];
	_ =	sdelay $0x1  }
0x8a: {  	s1 =	srdreg.scid  }
0x8b: {  	s0 =	sand.u32 $0x1, s1  }
0x8c: {  	s17 =	sshll.u32 s0, $0xA;
	s2 =	sadd.s32 s3, s2  }
0x8d: {  	s2 =	sadd.s32 s2, s17  }
0x8e: {  	[smem:$0x3FC4] =	sst s2  }
0x8f: {  	_ = 	snop  }
0x90: {  	s2 =	sld [smem:$0x3FC8]  }
0x91: {  	s18 =	sld [smem:$0x3FC6];
	(tm) =	ssettm $0x1  }
0x92: {  	s4 =	sld [smem:$0x3FFB];
	_ =	sdelay $0x3  }
0x93: {  	_ =	strace s4  }
0x94: {  	s4 =	sld [smem:$0x3FFC];
	_ =	sdelay $0x3  }
0x95: {  	_ =	strace s4  }
0x96: {  	s4 =	sld [smem:$0x3FFD];
	_ =	sdelay $0x3  }
0x97: {  	_ =	strace s4  }
0x98: {  	_ =	strace $0x8FFFFFFF  }
0x99: {  	s19 =	sld [smem:$0x3FDB];
	_ =	sdelay $0x1  }
0x9a: {  	s5 =	simm.s32 $_scs_section_size  }
0x9b: {  	s6 =	simm.s32 $_size__tile_overlayer_lowered;
	s7 =	simm.s32 $_tile_overlayer_lowered  }
0x9c: {  	s22 =	simm.s32 $0x1BFF;
	s21 =	sshll.u32 s7, $0x1;
	s4 =	sadd.s32 s5, s19  }
0x9d: {  	s8 =	simm.s32 $0x0;
	s20 =	sshll.u32 s6, $0x1;
	s6 =	sadd.s32 s21, s4  }
0x9e: {  	[timem:s8], [sflag:s22] =	dma.local [hbm:s6], s20  }
0x9f: {  	_ =	swait.ge [sflag:s22], s20  }
0xa0: {  	s5 =	ssub.s32 $0x0, s20;
	[sflag:s22] =	ssyncset.done $0x0  }
0xa1: {  	[sflag:s22] =	ssyncadd.s32 s5;
	_ =	sdelay $0x1  }
0xa2: {  	s23 =	simm.s32 $0x1B8B  }
0xa3: {  	_ =	swait.ge [sflag:s23], $0x1  }
0xa4: {  	[sflag:s23] =	ssyncset.done $0x0  }
0xa5: {  	s25 =	simm.s32 $0x1B8E;
	s24 =	sld [smem:$0x3FFE];
	[sflag:s23] =	ssyncadd.s32 $0xFFFFFFFF  }
0xa6: {  	s26 =	simm.s32 $execute0_lowered;
	[smem:$0x3FD2] =	sst s25  }
0xa7: {  	s6 =	sshll.u32 s26, $0x1;
	_ =	strace $0x80000046;
	[dreg:$0x1] =	wrdreg $0xFFFFFFFF  }
0xa8: {  	s28 =	simm.s32 $_size_execute0_lowered;
	s4 =	sadd.s32 s4, s6;
	[dreg:$0x0] =	wrdreg $0x0  }
0xa9: {  	s6 =	sshll.u32 s28, $0x1;
	[dreg:$0x2] =	wrdreg s4  }
0xaa: {  	[dreg:$0x3] =	wrdreg s6  }
0xab: {  	[dreg:$0x4] =	wrdreg $0xC0  }
0xac: {  	_ =	task [dreg:s8], $0x5FFFF  }
0xad: {  	[dreg:$0x1] =	wrdreg $0xFFFFFFFF  }
0xae: {  	[dreg:$0x0] =	wrdreg $0x60  }
0xaf: {  	[dreg:$0x2] =	wrdreg s2  }
0xb0: {  	[dreg:$0x3] =	wrdreg s18  }
0xb1: {  	[dreg:$0x4] =	wrdreg s24  }
0xb2: {  	[dreg:$0x5] =	wrdreg $0x9  }
0xb3: {  	_ =	task.clear_ibuf [dreg:s8], $0x6FFFF;
	_ =	strace $0x90000046  }
0xb4: {  	s29 =	simm.s32 $0x9;
	_ =	strace $0x80000048  }
0xb5: {  	_ =	swait.ge [sflag:s29], $0x1  }
0xb6: {  	[sflag:s29] =	ssyncadd.s32 $0xFFFFFFFF  }
0xb7: {  	_ =	strace $0x90000048  }
0xb8: {  	_ =	sfence  }
0xb9: {  	s30 =	sld [smem:$0x0];
	_ =	sdelay $0x2  }
0xba: {  	s31 =	sshll.u32 s1, $0xD;
	s1 =	sshrl.u32 s1, $0x2  }
0xbb: {  	s3 =	sand.u32 $0x4000, s31;
	s1 =	sadd.s32 s1, s30  }
0xbc: {  	s0 =	sor.u32 s3, s0;
	s1 =	sshll.u32 s1, $0x11  }
0xbd: {  	s0 =	sor.u32 s1, s0  }
0xbe: {  	s0 =	sadd.s32 $0x8F2B, s0  }
0xbf: {  	[sflag:s0] =	ssyncadd.remote.s32 $0x1  }
0xc0: {  	_ =	sfence.sel $0xFFFF  }
0xc1: {  	[dreg:$0x0] =	wrdreg $0xFFFFFFFF;
	(pc) =	sbr.abs _section_cstart, $3  }
0xc2: {  	[dreg:$0x1] =	wrdreg $0xFFFFFFFF  }
0xc3: {  	_ =	task.clear_ibuf [dreg:s8], $0x2FFFF;
	_ =	strace $0x9FFFFFFF  }
0xc4: {  	(tm) =	ssettm $0x7FFFFFFF  }
0xc5: {  	_ =	shalt  }
tec
execute0_lowered:
.L_overlay_start_1:
0x0: {  	(tag) =	ssettag $0x1  }
0x1: {  	s4 =	rddreg [dreg:$0x0]  }
0x2: {  	s2 =	rddreg [dreg:$0x1]  }
0x3: {  	s9 =	rddreg [dreg:$0x2]  }
0x4: {  	s3 =	srdreg.scid;
	s0 =	rddreg [dreg:$0x3]  }
0x5: {  	s1 =	stileid.u32;
	s8 =	simm.s32 $0x1;
	s6 =	sand.u32 $0x1, s3  }
0x6: {  	s3 =	simm.s32 $0x0;
	s5 =	sshll.u32 s1, $0x3;
	s7 =	sshll.u32 s6, $0x2  }
0x7: {  	[smem:$0x7FF] =	sst s3;
	s11 =	ssub.s32 $0x2, s6;
	s10 =	sor.u32 s7, s5  }
0x8: {  	_ =	strace $0x80000047;
	s5 =	sadd.s32 s4, s10;
	s4 =	simm.s32 $0x2  }
0x9: {  	[tilespmem:s3], [sflag:$0x2] =	stream.linear.gather [hbm4b:s5+s3], $0x20, $0x38;
	[tilespmem:$0x100] =	vst v63  }
0xa: {  	s6 =	simm.s32 $0x20;
	s12 =	sshrl.u32 s11, $0x1;
	_ =	swait.ge [sflag:s4], $0x20  }
0xb: {  	s7 =	simm.s32 $0x80;
	s31 =	ssub.s32 s11, s12;
	[sflag:s4] =	ssyncset.done $0x0  }
0xc: {  	s9 =	sadd.s32 s10, s9;
	s10 =	smax.u32 s31, $0x1;
	[sflag:s4] =	ssyncadd.s32 $0xFFFFFFE0  }
0xd: {  	[tilespmem:s7], [sflag:$0x1] =	stream.indirect.gather [hbm4b:s2+s6], $0x1, s3, s6, $0xb8;
	[tilespmem:$0x100] =	vst v63  }
0xe: {  	p0 =	sne.s32 s10, $0x1;
	_ =	swait.ge [sflag:s8], $0x20  }
.Ltmp0:
0xf: {  	[sflag:s8] =	ssyncset.done $0x0;
	(pc) =	sbr.rel @!p0 .LBB2_2-.Ltmp0, $4  }
0x10: {  	s9 =	sadd.s32 $0xA00, s9;
	[sflag:s8] =	ssyncadd.s32 $0xFFFFFFE0  }
0x11: {  	[hbm4b:s9+s3] =	stream.linear.scatter [tilespmem:s7], [sflag:$0x2], $0x20, $0x38;
	[tilespmem:$0x100] =	vst v63  }
0x12: {  	_ =	swait.ge [sflag:s4], $0x20  }
0x13: {  	s10 =	sadd.s32 $0xFFFFFFFF, s10;
	[sflag:s4] =	ssyncset.done $0x0  }
.LBB2_1:
0x14: {  	p0 =	sne.s32 s10, $0x1;
	s10 =	sadd.s32 $0xFFFFFFFF, s10;
	[sflag:s4] =	ssyncadd.s32 $0xFFFFFFE0  }
0x15: {  	[tilespmem:s3], [sflag:$0x2] =	stream.linear.gather [hbm4b:s5+s3], $0x20, $0x38;
	[tilespmem:$0x100] =	vst v63  }
0x16: {  	_ =	swait.ge [sflag:s4], $0x20  }
0x17: {  	[sflag:s4] =	ssyncset.done $0x0  }
0x18: {  	[sflag:s4] =	ssyncadd.s32 $0xFFFFFFE0  }
0x19: {  	[tilespmem:s7], [sflag:$0x1] =	stream.indirect.gather [hbm4b:s2+s6], $0x1, s3, s6, $0xb8;
	[tilespmem:$0x100] =	vst v63  }
0x1a: {  	_ =	swait.ge [sflag:s8], $0x20  }
.Ltmp1:
0x1b: {  	[sflag:s8] =	ssyncset.done $0x0;
	(pc) =	sbr.rel @p0 .LBB2_1-.Ltmp1, $4  }
0x1c: {  	[sflag:s8] =	ssyncadd.s32 $0xFFFFFFE0  }
0x1d: {  	[hbm4b:s9+s3] =	stream.linear.scatter [tilespmem:s7], [sflag:$0x2], $0x20, $0x38;
	[tilespmem:$0x100] =	vst v63  }
0x1e: {  	_ =	swait.ge [sflag:s4], $0x20  }
0x1f: {  	[sflag:s4] =	ssyncset.done $0x0  }
.LBB2_2:
0x20: {  	[sflag:s4] =	ssyncadd.s32 $0xFFFFFFE0  }
0x21: {  	_ =	sfence.sel $0x180000  }
0x22: {  	[bflag:$0x0] =	sbarrier.arrive $0xFFFF  }
0x23: {  	p0 =	sne.s32 s1, $0x0;
	_ =	strace $0x90000047  }
0x24: {  	s0 =	sadd.s32 @!p0 $0x100000, s0;
	[bflag:$0x2] =	sbarrier.arrive $0xFFFF  }
0x25: {  	[sflag:s0] =	ssyncadd.tile.s32 @!p0 $0x1;
	_ =	shalt  }
.Lfunc_end2:
_tile_overlayer_lowered:
.L_overlay_start_2:
0x26: {  	(tag) =	ssettag $0x2  }
0x27: {  	s0 =	rddreg [dreg:$0x0];
	s2 =	stileid.u32  }
0x28: {  	s1 =	rddreg [dreg:$0x1];
	p0 =	sne.s32 s2, $0x0  }
0x29: {  	s3 =	rddreg [dreg:$0x2];
	[bflag:$0x3] =	sbarrier.arrive $0xFFFF;
	s2 =	simm.s32 @!p0 $0x1C02  }
0x2a: {  	[timem:s3], [sflag:s2] =	dma.local @!p0 [hbm:s0], s1  }
0x2b: {  	s0 =	simm.s32 @!p0 $0x2  }
0x2c: {  	_ =	swait.ge @!p0 [sflag:s0], s1  }
0x2d: {  	s1 =	ssub.s32 @!p0 $0x0, s1;
	[sflag:s0] =	ssyncset.done @!p0 $0x0  }
0x2e: {  	[sflag:s0] =	ssyncadd.s32 @!p0 s1  }
0x2f: {  	[bflag:$0x3] =	sbarrier.arrive $0xFFFF  }
0x30: {  	_ =	shalt  }

</sc_bundles>
